<compile_context>
chip_gen: v7x
topology: tpu7x:2x2x1
jax: 0.10.2.dev20260603
libtpu: 0.0.44.dev20260713+nightly
codegen_flags: <defaults>
</compile_context>

<pallas_src>
import functools

import jax
import jax.numpy as jnp
from jax import lax
from jax.experimental import pallas as pl
from jax.experimental.pallas import tpu as pltpu
from jax.experimental.pallas import tpu_sc as plsc

NUM_DEEP = 26
VOCAB = 100000
EMB = 64
B = 16384
WAD = 128
H = WAD // 2
HIDDEN = H * 2
EPS = 1e-6

NTOT = NUM_DEEP * B
NW = 32
ROWS_PER_W = NTOT // NW
CHUNK = 128
NCHUNK = ROWS_PER_W // CHUNK

_mesh = plsc.VectorSubcoreMesh(core_axis_name="c", subcore_axis_name="s")


@functools.partial(
    pl.kernel,
    mesh=_mesh,
    out_type=jax.ShapeDtypeStruct((NTOT, EMB), jnp.float32),
    scratch_types=[
        pltpu.VMEM((NCHUNK, CHUNK), jnp.int32),
        pltpu.VMEM((CHUNK, EMB), jnp.float32),
        pltpu.SemaphoreType.DMA,
    ],
    compiler_params=pltpu.CompilerParams(use_tc_tiling_on_sc=False),
)
def _sc_gather(tables_hbm, idx_hbm, out_hbm, idx_v, rows_v, sem):
    wid = lax.axis_index("s") * 2 + lax.axis_index("c")
    base = wid * ROWS_PER_W
    pltpu.sync_copy(idx_hbm.at[pl.ds(wid * NCHUNK, NCHUNK)], idx_v)

    def body(j, carry):
        pltpu.async_copy(tables_hbm.at[idx_v.at[j]], rows_v, sem).wait()
        pltpu.sync_copy(rows_v, out_hbm.at[pl.ds(base + j * CHUNK, CHUNK)])
        return carry

    lax.fori_loop(0, NCHUNK, body, 0)


def _tc_body(x_ref, wd_ref, bd_ref, w13_ref, b13_ref, w2_ref, b2_ref, o_ref):
    x = x_ref[...]
    ss = jnp.sum(x * x, axis=(0, 2)) * (1.0 / (NUM_DEEP * EMB))
    t = jnp.zeros((x.shape[1], H), jnp.float32)
    for f in range(NUM_DEEP):
        t = t + jnp.dot(x[f], wd_ref[f], preferred_element_type=jnp.float32)
    h = t * lax.rsqrt(ss + EPS)[:, None] + bd_ref[...]
    gu = jnp.dot(h, w13_ref[...], preferred_element_type=jnp.float32) + b13_ref[...]
    g = gu[:, :HIDDEN]
    u = gu[:, HIDDEN:]
    act = g * jax.nn.sigmoid(g) * u
    o_ref[...] = jnp.dot(act, w2_ref[...], preferred_element_type=jnp.float32) + b2_ref[...]


BBLK = 1024


def _tc_head(x, wd_s, bd, w13, b13, w2, b2):
    grid = (B // BBLK,)
    full2 = lambda shape: pl.BlockSpec(shape, lambda i: (0, 0))
    return pl.pallas_call(
        _tc_body,
        grid=grid,
        in_specs=[
            pl.BlockSpec((NUM_DEEP, BBLK, EMB), lambda i: (0, i, 0)),
            pl.BlockSpec((NUM_DEEP, EMB, H), lambda i: (0, 0, 0)),
            full2((1, H)),
            full2((H, 2 * HIDDEN)),
            full2((1, 2 * HIDDEN)),
            full2((HIDDEN, H)),
            full2((1, H)),
        ],
        out_specs=pl.BlockSpec((BBLK, H), lambda i: (i, 0)),
        out_shape=jax.ShapeDtypeStruct((B, H), jnp.float32),
    )(x, wd_s, bd, w13, b13, w2, b2)


def kernel(deep_in, tables, rms_w, Wd, bd, W1, b1, W3, b3, W2, b2):
    tables_flat = tables.reshape(NUM_DEEP * VOCAB, EMB)
    offs = (jnp.arange(NUM_DEEP, dtype=jnp.int32) * VOCAB)[:, None]
    fidx = (deep_in + offs).reshape(NTOT // CHUNK, CHUNK)
    gathered = _sc_gather(tables_flat, fidx)
    x = gathered.reshape(NUM_DEEP, B, EMB)
    wd_s = (rms_w[:, None] * Wd).reshape(NUM_DEEP, EMB, H)
    w13 = jnp.concatenate([W1, W3], axis=1)
    b13 = jnp.concatenate([b1, b3]).reshape(1, -1)
    return _tc_head(x, wd_s, bd.reshape(1, H), w13, b13, W2, b2.reshape(1, H))

# --- scband reference (transcript-rebuilt; emitter-appended) ---
"""Pipeline reference for scband-context-head-22969485099914 (READ-ONLY COPY).

The authoritative reference and input builder live on the scoring server;
editing this copy changes nothing except your own understanding.
"""

import jax, jax.numpy as jnp
import numpy as np

NUM_DEEP = 26
VOCAB = 100000
EMB = 64
B = 16384
WAD = 128
H = WAD // 2  # 64, deep_dense output
HIDDEN = H * 2  # FFSwiGLU hidden = dim * mult (mult=2)
EPS = 1e-6


def setup_inputs(seed: int = 0) -> dict:
    key = jax.random.key(seed)
    ks = jax.random.split(key, 8)
    deep_in = jax.random.randint(ks[0], (NUM_DEEP, B), 0, VOCAB, dtype=jnp.int32)
    tables = jax.random.normal(ks[1], (NUM_DEEP, VOCAB, EMB), dtype=jnp.float32) * 0.02
    rms_w = jnp.ones((NUM_DEEP * EMB,), dtype=jnp.float32)
    Wd = jax.random.normal(ks[2], (NUM_DEEP * EMB, H), dtype=jnp.float32) * 0.02
    bd = jnp.zeros((H,), dtype=jnp.float32)
    W1 = jax.random.normal(ks[3], (H, HIDDEN), dtype=jnp.float32) * 0.05
    b1 = jnp.zeros((HIDDEN,), dtype=jnp.float32)
    W3 = jax.random.normal(ks[4], (H, HIDDEN), dtype=jnp.float32) * 0.05
    b3 = jnp.zeros((HIDDEN,), dtype=jnp.float32)
    W2 = jax.random.normal(ks[5], (HIDDEN, H), dtype=jnp.float32) * 0.05
    b2 = jnp.zeros((H,), dtype=jnp.float32)
    return {"deep_in": deep_in, "tables": tables, "rms_w": rms_w,
            "Wd": Wd, "bd": bd, "W1": W1, "b1": b1, "W3": W3, "b3": b3,
            "W2": W2, "b2": b2}


def _rmsnorm(x, w):
    return x * jax.lax.rsqrt(jnp.mean(x * x, axis=-1, keepdims=True) + EPS) * w


def _ffswiglu(x, W1, b1, W3, b3, W2, b2):
    g = x @ W1 + b1
    u = x @ W3 + b3
    return (jax.nn.silu(g) * u) @ W2 + b2


def reference(deep_in, tables, rms_w, Wd, bd, W1, b1, W3, b3, W2, b2):
    # per-field embedding lookup: [NUM_DEEP, B, EMB]
    emb = jax.vmap(lambda t, idx: jnp.take(t, idx, axis=0))(tables, deep_in)
    # torch.cat along feature dim then squeeze -> [B, NUM_DEEP*EMB]
    deep_out = jnp.transpose(emb, (1, 0, 2)).reshape(B, NUM_DEEP * EMB)
    deep_out = _rmsnorm(deep_out, rms_w)
    deep_out = deep_out @ Wd + bd
    deep_out = _ffswiglu(deep_out, W1, b1, W3, b3, W2, b2)
    return deep_out

if __name__ == "__main__":
    import jax
    _d = setup_inputs()
    print(jax.jit(kernel)(*tuple(_d.values())))

</pallas_src>

<mosaic_0001>
#map = affine_map<(d0, d1) -> (0, 0)>
module attributes {stable_mosaic.version = 14 : i64} {
  func.func @_sc_gather(%arg0: i32, %arg1: i32, %arg2: memref<2600000x64xf32, #tpu.memory_space<hbm>>, %arg3: memref<3328x128xi32, #tpu.memory_space<hbm>>, %arg4: memref<425984x64xf32, #tpu.memory_space<hbm>>, %arg5: memref<104x128xi32, #tpu.memory_space<vmem>>, %arg6: memref<128x64xf32, #tpu.memory_space<vmem>>, %arg7: memref<!tpu.dma_semaphore, #tpu.memory_space<semaphore_mem>>) attributes {dimension_semantics = [#tpu.dimension_semantics<core_parallel>, #tpu.dimension_semantics<subcore_parallel>], iteration_bounds = array<i64: 2, 16>, scalar_prefetch = 0 : i64, scratch_operands = 3 : i64, tpu.core_type = #tpu.core_type<sc_vector_subcore>, window_params = [{transform_indices = #map}, {transform_indices = #map}, {transform_indices = #map}]} {
    %mul3A = arith.constant 2 : i32
    %mul3A_0 = arith.muli %arg1, %mul3A : i32
    %add3A = arith.addi %mul3A_0, %arg0 : i32
    %mul3A_1 = arith.constant 13312 : i32
    %mul3A_2 = arith.muli %add3A, %mul3A_1 : i32
    %mul3A_3 = arith.constant 104 : i32
    %mul3A_4 = arith.muli %add3A, %mul3A_3 : i32
    "tpu.region"() ({
      %run_scoped3A = tpu.sem_alloc : memref<!tpu.dma_semaphore, #tpu.memory_space<semaphore_mem>>
      %dma_start3A = arith.constant 0 : i32
      %dma_start3A_10 = tpu.memref_slice %arg3[%mul3A_4, %dma_start3A] : memref<3328x128xi32, #tpu.memory_space<hbm>> -> memref<104x128xi32, #tpu.memory_space<hbm>>
      %dma_start3A_11 = arith.constant 0 : i32
      %dma_start3A_12 = tpu.memref_slice %arg3[%mul3A_4, %dma_start3A_11] : memref<3328x128xi32, #tpu.memory_space<hbm>> -> memref<104x128xi32, #tpu.memory_space<hbm>>
      tpu.enqueue_dma source(%dma_start3A_12 : memref<104x128xi32, #tpu.memory_space<hbm>>) target(%arg5 : memref<104x128xi32, #tpu.memory_space<vmem>>) target_semaphore(%run_scoped3A : memref<!tpu.dma_semaphore, #tpu.memory_space<semaphore_mem>>)
      %dma_wait3A = arith.constant 0 : i32
      %dma_wait3A_13 = tpu.memref_slice %arg3[%mul3A_4, %dma_wait3A] : memref<3328x128xi32, #tpu.memory_space<hbm>> -> memref<104x128xi32, #tpu.memory_space<hbm>>
      %dma_wait3A_14 = arith.constant 0 : i32
      %dma_wait3A_15 = tpu.memref_slice %arg3[%mul3A_4, %dma_wait3A_14] : memref<3328x128xi32, #tpu.memory_space<hbm>> -> memref<104x128xi32, #tpu.memory_space<hbm>>
      tpu.wait_dma2 semaphore(%run_scoped3A : memref<!tpu.dma_semaphore, #tpu.memory_space<semaphore_mem>>) src(%dma_wait3A_15 : memref<104x128xi32, #tpu.memory_space<hbm>>) dst(%arg5 : memref<104x128xi32, #tpu.memory_space<vmem>>)
      tpu.yield
    }) : () -> ()
    %scan3A = arith.constant 0 : i32
    %scan3A_5 = arith.constant 0 : i32
    %scan3A_6 = arith.constant 104 : i32
    %scan3A_7 = arith.addi %scan3A_5, %scan3A_6 : i32
    %scan3A_8 = arith.constant 1 : i32
    scf.for %scan3A_10 = %scan3A_5 to %scan3A_7 step %scan3A_8  : i32 {
      %dma_start3A = arith.constant 0 : i32
      %dma_start3A_11 = tpu.memref_slice %arg5[%scan3A_10, %dma_start3A] : memref<104x128xi32, #tpu.memory_space<vmem>> -> memref<1x128xi32, #tpu.memory_space<vmem>>
      %dma_start3A_12 = tpu.memref_squeeze %dma_start3A_11 : memref<1x128xi32, #tpu.memory_space<vmem>> -> memref<128xi32, #tpu.memory_space<vmem>>
      %dma_start3A_13 = arith.constant 0 : i32
      %dma_start3A_14 = arith.constant 0 : i32
      %dma_start3A_15 = tpu.memref_slice %arg2[%dma_start3A_13, %dma_start3A_14] : memref<2600000x64xf32, #tpu.memory_space<hbm>> -> memref<2600000x64xf32, #tpu.memory_space<hbm>>
      tpu.enqueue_indirect_dma source(%dma_start3A_15 : memref<2600000x64xf32, #tpu.memory_space<hbm>>) target(%arg6 : memref<128x64xf32, #tpu.memory_space<vmem>>) offsets(%dma_start3A_12 : memref<128xi32, #tpu.memory_space<vmem>>) semaphore(%arg7 : memref<!tpu.dma_semaphore, #tpu.memory_space<semaphore_mem>>)
      %dma_wait3A = arith.constant 0 : i32
      %dma_wait3A_16 = tpu.memref_slice %arg5[%scan3A_10, %dma_wait3A] : memref<104x128xi32, #tpu.memory_space<vmem>> -> memref<1x128xi32, #tpu.memory_space<vmem>>
      %dma_wait3A_17 = tpu.memref_squeeze %dma_wait3A_16 : memref<1x128xi32, #tpu.memory_space<vmem>> -> memref<128xi32, #tpu.memory_space<vmem>>
      %dma_wait3A_18 = arith.constant 0 : i32
      %dma_wait3A_19 = arith.constant 0 : i32
      %dma_wait3A_20 = tpu.memref_slice %arg2[%dma_wait3A_18, %dma_wait3A_19] : memref<2600000x64xf32, #tpu.memory_space<hbm>> -> memref<2600000x64xf32, #tpu.memory_space<hbm>>
      tpu.wait_indirect_dma semaphore(%arg7 : memref<!tpu.dma_semaphore, #tpu.memory_space<semaphore_mem>>) src(%dma_wait3A_20 : memref<2600000x64xf32, #tpu.memory_space<hbm>>) dst(%arg6 : memref<128x64xf32, #tpu.memory_space<vmem>>)
      %mul3A_21 = arith.constant 128 : i32
      %mul3A_22 = arith.muli %scan3A_10, %mul3A_21 : i32
      %add3A_23 = arith.addi %mul3A_2, %mul3A_22 : i32
      "tpu.region"() ({
        %run_scoped3A = tpu.sem_alloc : memref<!tpu.dma_semaphore, #tpu.memory_space<semaphore_mem>>
        %dma_start3A_24 = arith.constant 0 : i32
        %dma_start3A_25 = tpu.memref_slice %arg4[%add3A_23, %dma_start3A_24] : memref<425984x64xf32, #tpu.memory_space<hbm>> -> memref<128x64xf32, #tpu.memory_space<hbm>>
        %dma_start3A_26 = arith.constant 0 : i32
        %dma_start3A_27 = tpu.memref_slice %arg4[%add3A_23, %dma_start3A_26] : memref<425984x64xf32, #tpu.memory_space<hbm>> -> memref<128x64xf32, #tpu.memory_space<hbm>>
        tpu.enqueue_dma source(%arg6 : memref<128x64xf32, #tpu.memory_space<vmem>>) target(%dma_start3A_27 : memref<128x64xf32, #tpu.memory_space<hbm>>) target_semaphore(%run_scoped3A : memref<!tpu.dma_semaphore, #tpu.memory_space<semaphore_mem>>)
        %dma_wait3A_28 = arith.constant 0 : i32
        %dma_wait3A_29 = tpu.memref_slice %arg4[%add3A_23, %dma_wait3A_28] : memref<425984x64xf32, #tpu.memory_space<hbm>> -> memref<128x64xf32, #tpu.memory_space<hbm>>
        %dma_wait3A_30 = arith.constant 0 : i32
        %dma_wait3A_31 = tpu.memref_slice %arg4[%add3A_23, %dma_wait3A_30] : memref<425984x64xf32, #tpu.memory_space<hbm>> -> memref<128x64xf32, #tpu.memory_space<hbm>>
        tpu.wait_dma2 semaphore(%run_scoped3A : memref<!tpu.dma_semaphore, #tpu.memory_space<semaphore_mem>>) src(%arg6 : memref<128x64xf32, #tpu.memory_space<vmem>>) dst(%dma_wait3A_31 : memref<128x64xf32, #tpu.memory_space<hbm>>)
        tpu.yield
      }) : () -> ()
    }
    %scan3A_9 = arith.constant 104 : i32
    return
  }
}

module attributes {stable_mosaic.version = 14 : i64} {
  func.func @_tc_body(%arg0: i32, %arg1: memref<26x1024x64xf32, #tpu.memory_space<vmem>>, %arg2: memref<26x64x64xf32, #tpu.memory_space<vmem>>, %arg3: memref<1x64xf32, #tpu.memory_space<vmem>>, %arg4: memref<64x256xf32, #tpu.memory_space<vmem>>, %arg5: memref<1x256xf32, #tpu.memory_space<vmem>>, %arg6: memref<128x64xf32, #tpu.memory_space<vmem>>, %arg7: memref<1x64xf32, #tpu.memory_space<vmem>>, %arg8: memref<1024x64xf32, #tpu.memory_space<vmem>>) attributes {dimension_semantics = [#tpu.dimension_semantics<arbitrary>], iteration_bounds = array<i64: 16>, scalar_prefetch = 0 : i64, scratch_operands = 0 : i64, tpu.core_type = #tpu.core_type<tc>, window_params = [{transform_indices = @transform_0, window_bounds = array<i64: 26, 1024, 64>}, {pipeline_mode = #tpu.pipeline_mode<synchronous>, transform_indices = @transform_1, window_bounds = array<i64: 26, 64, 64>}, {pipeline_mode = #tpu.pipeline_mode<synchronous>, transform_indices = @transform_2, window_bounds = array<i64: 1, 64>}, {pipeline_mode = #tpu.pipeline_mode<synchronous>, transform_indices = @transform_3, window_bounds = array<i64: 64, 256>}, {pipeline_mode = #tpu.pipeline_mode<synchronous>, transform_indices = @transform_4, window_bounds = array<i64: 1, 256>}, {pipeline_mode = #tpu.pipeline_mode<synchronous>, transform_indices = @transform_5, window_bounds = array<i64: 128, 64>}, {pipeline_mode = #tpu.pipeline_mode<synchronous>, transform_indices = @transform_6, window_bounds = array<i64: 1, 64>}, {transform_indices = @transform_7, window_bounds = array<i64: 1024, 64>}]} {
    %get3A = arith.constant 0 : index
    %get3A_0 = arith.constant 0 : index
    %get3A_1 = arith.constant 0 : index
    %get3A_2 = vector.load %arg1[%get3A, %get3A_0, %get3A_1] : memref<26x1024x64xf32, #tpu.memory_space<vmem>>, vector<26x1024x64xf32>
    %mul3A = arith.mulf %get3A_2, %get3A_2 : vector<26x1024x64xf32>
    %reduce_sum3A = arith.constant dense<0.000000e+00> : vector<1024xf32>
    %reduce_sum3A_3 = vector.multi_reduction <add>, %mul3A, %reduce_sum3A [0, 2] : vector<26x1024x64xf32> to vector<1024xf32>
    %mul3A_4 = arith.constant 6.00961561E-4 : f32
    %mul3A_5 = vector.broadcast %mul3A_4 : f32 to vector<1024xf32>
    %mul3A_6 = arith.mulf %reduce_sum3A_3, %mul3A_5 : vector<1024xf32>
    %broadcast_in_dim3A = arith.constant 0.000000e+00 : f32
    %broadcast_in_dim3A_7 = vector.broadcast %broadcast_in_dim3A : f32 to vector<1024x64xf32>
    %slice3A = vector.extract_strided_slice %get3A_2 {offsets = [0, 0, 0], sizes = [1, 1024, 64], strides = [1, 1, 1]} : vector<26x1024x64xf32> to vector<1x1024x64xf32>
    %squeeze3A = vector.shape_cast %slice3A : vector<1x1024x64xf32> to vector<1024x64xf32>
    %get3A_8 = arith.constant 0 : index
    %get3A_9 = arith.constant 0 : index
    %get3A_10 = arith.constant 0 : index
    %get3A_11 = vector.load %arg2[%get3A_8, %get3A_9, %get3A_10] : memref<26x64x64xf32, #tpu.memory_space<vmem>>, vector<1x64x64xf32>
    %get3A_12 = vector.shape_cast %get3A_11 : vector<1x64x64xf32> to vector<64x64xf32>
    %dot_general3A = arith.constant dense<0.000000e+00> : vector<1024x64xf32>
    %dot_general3A_13 = tpu.matmul %squeeze3A, %get3A_12, %dot_general3A {dimension_numbers = #tpu.dot_dimension_numbers<[1], [0], [0], [1], [0, 0, 1, 1], [], []>, transpose_lhs_hint = false} : vector<1024x64xf32>, vector<64x64xf32>, vector<1024x64xf32> -> vector<1024x64xf32>
    %add3A = arith.addf %broadcast_in_dim3A_7, %dot_general3A_13 : vector<1024x64xf32>
    %slice3A_14 = vector.extract_strided_slice %get3A_2 {offsets = [1, 0, 0], sizes = [1, 1024, 64], strides = [1, 1, 1]} : vector<26x1024x64xf32> to vector<1x1024x64xf32>
    %squeeze3A_15 = vector.shape_cast %slice3A_14 : vector<1x1024x64xf32> to vector<1024x64xf32>
    %get3A_16 = arith.constant 1 : index
    %get3A_17 = arith.constant 0 : index
    %get3A_18 = arith.constant 0 : index
    %get3A_19 = vector.load %arg2[%get3A_16, %get3A_17, %get3A_18] : memref<26x64x64xf32, #tpu.memory_space<vmem>>, vector<1x64x64xf32>
    %get3A_20 = vector.shape_cast %get3A_19 : vector<1x64x64xf32> to vector<64x64xf32>
    %dot_general3A_21 = arith.constant dense<0.000000e+00> : vector<1024x64xf32>
    %dot_general3A_22 = tpu.matmul %squeeze3A_15, %get3A_20, %dot_general3A_21 {dimension_numbers = #tpu.dot_dimension_numbers<[1], [0], [0], [1], [0, 0, 1, 1], [], []>, transpose_lhs_hint = false} : vector<1024x64xf32>, vector<64x64xf32>, vector<1024x64xf32> -> vector<1024x64xf32>
    %add3A_23 = arith.addf %add3A, %dot_general3A_22 : vector<1024x64xf32>
    %slice3A_24 = vector.extract_strided_slice %get3A_2 {offsets = [2, 0, 0], sizes = [1, 1024, 64], strides = [1, 1, 1]} : vector<26x1024x64xf32> to vector<1x1024x64xf32>
    %squeeze3A_25 = vector.shape_cast %slice3A_24 : vector<1x1024x64xf32> to vector<1024x64xf32>
    %get3A_26 = arith.constant 2 : index
    %get3A_27 = arith.constant 0 : index
    %get3A_28 = arith.constant 0 : index
    %get3A_29 = vector.load %arg2[%get3A_26, %get3A_27, %get3A_28] : memref<26x64x64xf32, #tpu.memory_space<vmem>>, vector<1x64x64xf32>
    %get3A_30 = vector.shape_cast %get3A_29 : vector<1x64x64xf32> to vector<64x64xf32>
    %dot_general3A_31 = arith.constant dense<0.000000e+00> : vector<1024x64xf32>
    %dot_general3A_32 = tpu.matmul %squeeze3A_25, %get3A_30, %dot_general3A_31 {dimension_numbers = #tpu.dot_dimension_numbers<[1], [0], [0], [1], [0, 0, 1, 1], [], []>, transpose_lhs_hint = false} : vector<1024x64xf32>, vector<64x64xf32>, vector<1024x64xf32> -> vector<1024x64xf32>
    %add3A_33 = arith.addf %add3A_23, %dot_general3A_32 : vector<1024x64xf32>
    %slice3A_34 = vector.extract_strided_slice %get3A_2 {offsets = [3, 0, 0], sizes = [1, 1024, 64], strides = [1, 1, 1]} : vector<26x1024x64xf32> to vector<1x1024x64xf32>
    %squeeze3A_35 = vector.shape_cast %slice3A_34 : vector<1x1024x64xf32> to vector<1024x64xf32>
    %get3A_36 = arith.constant 3 : index
    %get3A_37 = arith.constant 0 : index
    %get3A_38 = arith.constant 0 : index
    %get3A_39 = vector.load %arg2[%get3A_36, %get3A_37, %get3A_38] : memref<26x64x64xf32, #tpu.memory_space<vmem>>, vector<1x64x64xf32>
    %get3A_40 = vector.shape_cast %get3A_39 : vector<1x64x64xf32> to vector<64x64xf32>
    %dot_general3A_41 = arith.constant dense<0.000000e+00> : vector<1024x64xf32>
    %dot_general3A_42 = tpu.matmul %squeeze3A_35, %get3A_40, %dot_general3A_41 {dimension_numbers = #tpu.dot_dimension_numbers<[1], [0], [0], [1], [0, 0, 1, 1], [], []>, transpose_lhs_hint = false} : vector<1024x64xf32>, vector<64x64xf32>, vector<1024x64xf32> -> vector<1024x64xf32>
    %add3A_43 = arith.addf %add3A_33, %dot_general3A_42 : vector<1024x64xf32>
    %slice3A_44 = vector.extract_strided_slice %get3A_2 {offsets = [4, 0, 0], sizes = [1, 1024, 64], strides = [1, 1, 1]} : vector<26x1024x64xf32> to vector<1x1024x64xf32>
    %squeeze3A_45 = vector.shape_cast %slice3A_44 : vector<1x1024x64xf32> to vector<1024x64xf32>
    %get3A_46 = arith.constant 4 : index
    %get3A_47 = arith.constant 0 : index
    %get3A_48 = arith.constant 0 : index
    %get3A_49 = vector.load %arg2[%get3A_46, %get3A_47, %get3A_48] : memref<26x64x64xf32, #tpu.memory_space<vmem>>, vector<1x64x64xf32>
    %get3A_50 = vector.shape_cast %get3A_49 : vector<1x64x64xf32> to vector<64x64xf32>
    %dot_general3A_51 = arith.constant dense<0.000000e+00> : vector<1024x64xf32>
    %dot_general3A_52 = tpu.matmul %squeeze3A_45, %get3A_50, %dot_general3A_51 {dimension_numbers = #tpu.dot_dimension_numbers<[1], [0], [0], [1], [0, 0, 1, 1], [], []>, transpose_lhs_hint = false} : vector<1024x64xf32>, vector<64x64xf32>, vector<1024x64xf32> -> vector<1024x64xf32>
    %add3A_53 = arith.addf %add3A_43, %dot_general3A_52 : vector<1024x64xf32>
    %slice3A_54 = vector.extract_strided_slice %get3A_2 {offsets = [5, 0, 0], sizes = [1, 1024, 64], strides = [1, 1, 1]} : vector<26x1024x64xf32> to vector<1x1024x64xf32>
    %squeeze3A_55 = vector.shape_cast %slice3A_54 : vector<1x1024x64xf32> to vector<1024x64xf32>
    %get3A_56 = arith.constant 5 : index
    %get3A_57 = arith.constant 0 : index
    %get3A_58 = arith.constant 0 : index
    %get3A_59 = vector.load %arg2[%get3A_56, %get3A_57, %get3A_58] : memref<26x64x64xf32, #tpu.memory_space<vmem>>, vector<1x64x64xf32>
    %get3A_60 = vector.shape_cast %get3A_59 : vector<1x64x64xf32> to vector<64x64xf32>
    %dot_general3A_61 = arith.constant dense<0.000000e+00> : vector<1024x64xf32>
    %dot_general3A_62 = tpu.matmul %squeeze3A_55, %get3A_60, %dot_general3A_61 {dimension_numbers = #tpu.dot_dimension_numbers<[1], [0], [0], [1], [0, 0, 1, 1], [], []>, transpose_lhs_hint = false} : vector<1024x64xf32>, vector<64x64xf32>, vector<1024x64xf32> -> vector<1024x64xf32>
    %add3A_63 = arith.addf %add3A_53, %dot_general3A_62 : vector<1024x64xf32>
    %slice3A_64 = vector.extract_strided_slice %get3A_2 {offsets = [6, 0, 0], sizes = [1, 1024, 64], strides = [1, 1, 1]} : vector<26x1024x64xf32> to vector<1x1024x64xf32>
    %squeeze3A_65 = vector.shape_cast %slice3A_64 : vector<1x1024x64xf32> to vector<1024x64xf32>
    %get3A_66 = arith.constant 6 : index
    %get3A_67 = arith.constant 0 : index
    %get3A_68 = arith.constant 0 : index
    %get3A_69 = vector.load %arg2[%get3A_66, %get3A_67, %get3A_68] : memref<26x64x64xf32, #tpu.memory_space<vmem>>, vector<1x64x64xf32>
    %get3A_70 = vector.shape_cast %get3A_69 : vector<1x64x64xf32> to vector<64x64xf32>
    %dot_general3A_71 = arith.constant dense<0.000000e+00> : vector<1024x64xf32>
    %dot_general3A_72 = tpu.matmul %squeeze3A_65, %get3A_70, %dot_general3A_71 {dimension_numbers = #tpu.dot_dimension_numbers<[1], [0], [0], [1], [0, 0, 1, 1], [], []>, transpose_lhs_hint = false} : vector<1024x64xf32>, vector<64x64xf32>, vector<1024x64xf32> -> vector<1024x64xf32>
    %add3A_73 = arith.addf %add3A_63, %dot_general3A_72 : vector<1024x64xf32>
    %slice3A_74 = vector.extract_strided_slice %get3A_2 {offsets = [7, 0, 0], sizes = [1, 1024, 64], strides = [1, 1, 1]} : vector<26x1024x64xf32> to vector<1x1024x64xf32>
    %squeeze3A_75 = vector.shape_cast %slice3A_74 : vector<1x1024x64xf32> to vector<1024x64xf32>
    %get3A_76 = arith.constant 7 : index
    %get3A_77 = arith.constant 0 : index
    %get3A_78 = arith.constant 0 : index
    %get3A_79 = vector.load %arg2[%get3A_76, %get3A_77, %get3A_78] : memref<26x64x64xf32, #tpu.memory_space<vmem>>, vector<1x64x64xf32>
    %get3A_80 = vector.shape_cast %get3A_79 : vector<1x64x64xf32> to vector<64x64xf32>
    %dot_general3A_81 = arith.constant dense<0.000000e+00> : vector<1024x64xf32>
    %dot_general3A_82 = tpu.matmul %squeeze3A_75, %get3A_80, %dot_general3A_81 {dimension_numbers = #tpu.dot_dimension_numbers<[1], [0], [0], [1], [0, 0, 1, 1], [], []>, transpose_lhs_hint = false} : vector<1024x64xf32>, vector<64x64xf32>, vector<1024x64xf32> -> vector<1024x64xf32>
    %add3A_83 = arith.addf %add3A_73, %dot_general3A_82 : vector<1024x64xf32>
    %slice3A_84 = vector.extract_strided_slice %get3A_2 {offsets = [8, 0, 0], sizes = [1, 1024, 64], strides = [1, 1, 1]} : vector<26x1024x64xf32> to vector<1x1024x64xf32>
    %squeeze3A_85 = vector.shape_cast %slice3A_84 : vector<1x1024x64xf32> to vector<1024x64xf32>
    %get3A_86 = arith.constant 8 : index
    %get3A_87 = arith.constant 0 : index
    %get3A_88 = arith.constant 0 : index
    %get3A_89 = vector.load %arg2[%get3A_86, %get3A_87, %get3A_88] : memref<26x64x64xf32, #tpu.memory_space<vmem>>, vector<1x64x64xf32>
    %get3A_90 = vector.shape_cast %get3A_89 : vector<1x64x64xf32> to vector<64x64xf32>
    %dot_general3A_91 = arith.constant dense<0.000000e+00> : vector<1024x64xf32>
    %dot_general3A_92 = tpu.matmul %squeeze3A_85, %get3A_90, %dot_general3A_91 {dimension_numbers = #tpu.dot_dimension_numbers<[1], [0], [0], [1], [0, 0, 1, 1], [], []>, transpose_lhs_hint = false} : vector<1024x64xf32>, vector<64x64xf32>, vector<1024x64xf32> -> vector<1024x64xf32>
    %add3A_93 = arith.addf %add3A_83, %dot_general3A_92 : vector<1024x64xf32>
    %slice3A_94 = vector.extract_strided_slice %get3A_2 {offsets = [9, 0, 0], sizes = [1, 1024, 64], strides = [1, 1, 1]} : vector<26x1024x64xf32> to vector<1x1024x64xf32>
    %squeeze3A_95 = vector.shape_cast %slice3A_94 : vector<1x1024x64xf32> to vector<1024x64xf32>
    %get3A_96 = arith.constant 9 : index
    %get3A_97 = arith.constant 0 : index
    %get3A_98 = arith.constant 0 : index
    %get3A_99 = vector.load %arg2[%get3A_96, %get3A_97, %get3A_98] : memref<26x64x64xf32, #tpu.memory_space<vmem>>, vector<1x64x64xf32>
    %get3A_100 = vector.shape_cast %get3A_99 : vector<1x64x64xf32> to vector<64x64xf32>
    %dot_general3A_101 = arith.constant dense<0.000000e+00> : vector<1024x64xf32>
    %dot_general3A_102 = tpu.matmul %squeeze3A_95, %get3A_100, %dot_general3A_101 {dimension_numbers = #tpu.dot_dimension_numbers<[1], [0], [0], [1], [0, 0, 1, 1], [], []>, transpose_lhs_hint = false} : vector<1024x64xf32>, vector<64x64xf32>, vector<1024x64xf32> -> vector<1024x64xf32>
    %add3A_103 = arith.addf %add3A_93, %dot_general3A_102 : vector<1024x64xf32>
    %slice3A_104 = vector.extract_strided_slice %get3A_2 {offsets = [10, 0, 0], sizes = [1, 1024, 64], strides = [1, 1, 1]} : vector<26x1024x64xf32> to vector<1x1024x64xf32>
    %squeeze3A_105 = vector.shape_cast %slice3A_104 : vector<1x1024x64xf32> to vector<1024x64xf32>
    %get3A_106 = arith.constant 10 : index
    %get3A_107 = arith.constant 0 : index
    %get3A_108 = arith.constant 0 : index
    %get3A_109 = vector.load %arg2[%get3A_106, %get3A_107, %get3A_108] : memref<26x64x64xf32, #tpu.memory_space<vmem>>, vector<1x64x64xf32>
    %get3A_110 = vector.shape_cast %get3A_109 : vector<1x64x64xf32> to vector<64x64xf32>
    %dot_general3A_111 = arith.constant dense<0.000000e+00> : vector<1024x64xf32>
    %dot_general3A_112 = tpu.matmul %squeeze3A_105, %get3A_110, %dot_general3A_111 {dimension_numbers = #tpu.dot_dimension_numbers<[1], [0], [0], [1], [0, 0, 1, 1], [], []>, transpose_lhs_hint = false} : vector<1024x64xf32>, vector<64x64xf32>, vector<1024x64xf32> -> vector<1024x64xf32>
    %add3A_113 = arith.addf %add3A_103, %dot_general3A_112 : vector<1024x64xf32>
    %slice3A_114 = vector.extract_strided_slice %get3A_2 {offsets = [11, 0, 0], sizes = [1, 1024, 64], strides = [1, 1, 1]} : vector<26x1024x64xf32> to vector<1x1024x64xf32>
    %squeeze3A_115 = vector.shape_cast %slice3A_114 : vector<1x1024x64xf32> to vector<1024x64xf32>
    %get3A_116 = arith.constant 11 : index
    %get3A_117 = arith.constant 0 : index
    %get3A_118 = arith.constant 0 : index
    %get3A_119 = vector.load %arg2[%get3A_116, %get3A_117, %get3A_118] : memref<26x64x64xf32, #tpu.memory_space<vmem>>, vector<1x64x64xf32>
    %get3A_120 = vector.shape_cast %get3A_119 : vector<1x64x64xf32> to vector<64x64xf32>
    %dot_general3A_121 = arith.constant dense<0.000000e+00> : vector<1024x64xf32>
    %dot_general3A_122 = tpu.matmul %squeeze3A_115, %get3A_120, %dot_general3A_121 {dimension_numbers = #tpu.dot_dimension_numbers<[1], [0], [0], [1], [0, 0, 1, 1], [], []>, transpose_lhs_hint = false} : vector<1024x64xf32>, vector<64x64xf32>, vector<1024x64xf32> -> vector<1024x64xf32>
    %add3A_123 = arith.addf %add3A_113, %dot_general3A_122 : vector<1024x64xf32>
    %slice3A_124 = vector.extract_strided_slice %get3A_2 {offsets = [12, 0, 0], sizes = [1, 1024, 64], strides = [1, 1, 1]} : vector<26x1024x64xf32> to vector<1x1024x64xf32>
    %squeeze3A_125 = vector.shape_cast %slice3A_124 : vector<1x1024x64xf32> to vector<1024x64xf32>
    %get3A_126 = arith.constant 12 : index
    %get3A_127 = arith.constant 0 : index
    %get3A_128 = arith.constant 0 : index
    %get3A_129 = vector.load %arg2[%get3A_126, %get3A_127, %get3A_128] : memref<26x64x64xf32, #tpu.memory_space<vmem>>, vector<1x64x64xf32>
    %get3A_130 = vector.shape_cast %get3A_129 : vector<1x64x64xf32> to vector<64x64xf32>
    %dot_general3A_131 = arith.constant dense<0.000000e+00> : vector<1024x64xf32>
    %dot_general3A_132 = tpu.matmul %squeeze3A_125, %get3A_130, %dot_general3A_131 {dimension_numbers = #tpu.dot_dimension_numbers<[1], [0], [0], [1], [0, 0, 1, 1], [], []>, transpose_lhs_hint = false} : vector<1024x64xf32>, vector<64x64xf32>, vector<1024x64xf32> -> vector<1024x64xf32>
    %add3A_133 = arith.addf %add3A_123, %dot_general3A_132 : vector<1024x64xf32>
    %slice3A_134 = vector.extract_strided_slice %get3A_2 {offsets = [13, 0, 0], sizes = [1, 1024, 64], strides = [1, 1, 1]} : vector<26x1024x64xf32> to vector<1x1024x64xf32>
    %squeeze3A_135 = vector.shape_cast %slice3A_134 : vector<1x1024x64xf32> to vector<1024x64xf32>
    %get3A_136 = arith.constant 13 : index
    %get3A_137 = arith.constant 0 : index
    %get3A_138 = arith.constant 0 : index
    %get3A_139 = vector.load %arg2[%get3A_136, %get3A_137, %get3A_138] : memref<26x64x64xf32, #tpu.memory_space<vmem>>, vector<1x64x64xf32>
    %get3A_140 = vector.shape_cast %get3A_139 : vector<1x64x64xf32> to vector<64x64xf32>
    %dot_general3A_141 = arith.constant dense<0.000000e+00> : vector<1024x64xf32>
    %dot_general3A_142 = tpu.matmul %squeeze3A_135, %get3A_140, %dot_general3A_141 {dimension_numbers = #tpu.dot_dimension_numbers<[1], [0], [0], [1], [0, 0, 1, 1], [], []>, transpose_lhs_hint = false} : vector<1024x64xf32>, vector<64x64xf32>, vector<1024x64xf32> -> vector<1024x64xf32>
    %add3A_143 = arith.addf %add3A_133, %dot_general3A_142 : vector<1024x64xf32>
    %slice3A_144 = vector.extract_strided_slice %get3A_2 {offsets = [14, 0, 0], sizes = [1, 1024, 64], strides = [1, 1, 1]} : vector<26x1024x64xf32> to vector<1x1024x64xf32>
    %squeeze3A_145 = vector.shape_cast %slice3A_144 : vector<1x1024x64xf32> to vector<1024x64xf32>
    %get3A_146 = arith.constant 14 : index
    %get3A_147 = arith.constant 0 : index
    %get3A_148 = arith.constant 0 : index
    %get3A_149 = vector.load %arg2[%get3A_146, %get3A_147, %get3A_148] : memref<26x64x64xf32, #tpu.memory_space<vmem>>, vector<1x64x64xf32>
    %get3A_150 = vector.shape_cast %get3A_149 : vector<1x64x64xf32> to vector<64x64xf32>
    %dot_general3A_151 = arith.constant dense<0.000000e+00> : vector<1024x64xf32>
    %dot_general3A_152 = tpu.matmul %squeeze3A_145, %get3A_150, %dot_general3A_151 {dimension_numbers = #tpu.dot_dimension_numbers<[1], [0], [0], [1], [0, 0, 1, 1], [], []>, transpose_lhs_hint = false} : vector<1024x64xf32>, vector<64x64xf32>, vector<1024x64xf32> -> vector<1024x64xf32>
    %add3A_153 = arith.addf %add3A_143, %dot_general3A_152 : vector<1024x64xf32>
    %slice3A_154 = vector.extract_strided_slice %get3A_2 {offsets = [15, 0, 0], sizes = [1, 1024, 64], strides = [1, 1, 1]} : vector<26x1024x64xf32> to vector<1x1024x64xf32>
    %squeeze3A_155 = vector.shape_cast %slice3A_154 : vector<1x1024x64xf32> to vector<1024x64xf32>
    %get3A_156 = arith.constant 15 : index
    %get3A_157 = arith.constant 0 : index
    %get3A_158 = arith.constant 0 : index
    %get3A_159 = vector.load %arg2[%get3A_156, %get3A_157, %get3A_158] : memref<26x64x64xf32, #tpu.memory_space<vmem>>, vector<1x64x64xf32>
    %get3A_160 = vector.shape_cast %get3A_159 : vector<1x64x64xf32> to vector<64x64xf32>
    %dot_general3A_161 = arith.constant dense<0.000000e+00> : vector<1024x64xf32>
    %dot_general3A_162 = tpu.matmul %squeeze3A_155, %get3A_160, %dot_general3A_161 {dimension_numbers = #tpu.dot_dimension_numbers<[1], [0], [0], [1], [0, 0, 1, 1], [], []>, transpose_lhs_hint = false} : vector<1024x64xf32>, vector<64x64xf32>, vector<1024x64xf32> -> vector<1024x64xf32>
    %add3A_163 = arith.addf %add3A_153, %dot_general3A_162 : vector<1024x64xf32>
    %slice3A_164 = vector.extract_strided_slice %get3A_2 {offsets = [16, 0, 0], sizes = [1, 1024, 64], strides = [1, 1, 1]} : vector<26x1024x64xf32> to vector<1x1024x64xf32>
    %squeeze3A_165 = vector.shape_cast %slice3A_164 : vector<1x1024x64xf32> to vector<1024x64xf32>
    %get3A_166 = arith.constant 16 : index
    %get3A_167 = arith.constant 0 : index
    %get3A_168 = arith.constant 0 : index
    %get3A_169 = vector.load %arg2[%get3A_166, %get3A_167, %get3A_168] : memref<26x64x64xf32, #tpu.memory_space<vmem>>, vector<1x64x64xf32>
    %get3A_170 = vector.shape_cast %get3A_169 : vector<1x64x64xf32> to vector<64x64xf32>
    %dot_general3A_171 = arith.constant dense<0.000000e+00> : vector<1024x64xf32>
    %dot_general3A_172 = tpu.matmul %squeeze3A_165, %get3A_170, %dot_general3A_171 {dimension_numbers = #tpu.dot_dimension_numbers<[1], [0], [0], [1], [0, 0, 1, 1], [], []>, transpose_lhs_hint = false} : vector<1024x64xf32>, vector<64x64xf32>, vector<1024x64xf32> -> vector<1024x64xf32>
    %add3A_173 = arith.addf %add3A_163, %dot_general3A_172 : vector<1024x64xf32>
    %slice3A_174 = vector.extract_strided_slice %get3A_2 {offsets = [17, 0, 0], sizes = [1, 1024, 64], strides = [1, 1, 1]} : vector<26x1024x64xf32> to vector<1x1024x64xf32>
    %squeeze3A_175 = vector.shape_cast %slice3A_174 : vector<1x1024x64xf32> to vector<1024x64xf32>
    %get3A_176 = arith.constant 17 : index
    %get3A_177 = arith.constant 0 : index
    %get3A_178 = arith.constant 0 : index
    %get3A_179 = vector.load %arg2[%get3A_176, %get3A_177, %get3A_178] : memref<26x64x64xf32, #tpu.memory_space<vmem>>, vector<1x64x64xf32>
    %get3A_180 = vector.shape_cast %get3A_179 : vector<1x64x64xf32> to vector<64x64xf32>
    %dot_general3A_181 = arith.constant dense<0.000000e+00> : vector<1024x64xf32>
    %dot_general3A_182 = tpu.matmul %squeeze3A_175, %get3A_180, %dot_general3A_181 {dimension_numbers = #tpu.dot_dimension_numbers<[1], [0], [0], [1], [0, 0, 1, 1], [], []>, transpose_lhs_hint = false} : vector<1024x64xf32>, vector<64x64xf32>, vector<1024x64xf32> -> vector<1024x64xf32>
    %add3A_183 = arith.addf %add3A_173, %dot_general3A_182 : vector<1024x64xf32>
    %slice3A_184 = vector.extract_strided_slice %get3A_2 {offsets = [18, 0, 0], sizes = [1, 1024, 64], strides = [1, 1, 1]} : vector<26x1024x64xf32> to vector<1x1024x64xf32>
    %squeeze3A_185 = vector.shape_cast %slice3A_184 : vector<1x1024x64xf32> to vector<1024x64xf32>
    %get3A_186 = arith.constant 18 : index
    %get3A_187 = arith.constant 0 : index
    %get3A_188 = arith.constant 0 : index
    %get3A_189 = vector.load %arg2[%get3A_186, %get3A_187, %get3A_188] : memref<26x64x64xf32, #tpu.memory_space<vmem>>, vector<1x64x64xf32>
    %get3A_190 = vector.shape_cast %get3A_189 : vector<1x64x64xf32> to vector<64x64xf32>
    %dot_general3A_191 = arith.constant dense<0.000000e+00> : vector<1024x64xf32>
    %dot_general3A_192 = tpu.matmul %squeeze3A_185, %get3A_190, %dot_general3A_191 {dimension_numbers = #tpu.dot_dimension_numbers<[1], [0], [0], [1], [0, 0, 1, 1], [], []>, transpose_lhs_hint = false} : vector<1024x64xf32>, vector<64x64xf32>, vector<1024x64xf32> -> vector<1024x64xf32>
    %add3A_193 = arith.addf %add3A_183, %dot_general3A_192 : vector<1024x64xf32>
    %slice3A_194 = vector.extract_strided_slice %get3A_2 {offsets = [19, 0, 0], sizes = [1, 1024, 64], strides = [1, 1, 1]} : vector<26x1024x64xf32> to vector<1x1024x64xf32>
    %squeeze3A_195 = vector.shape_cast %slice3A_194 : vector<1x1024x64xf32> to vector<1024x64xf32>
    %get3A_196 = arith.constant 19 : index
    %get3A_197 = arith.constant 0 : index
    %get3A_198 = arith.constant 0 : index
    %get3A_199 = vector.load %arg2[%get3A_196, %get3A_197, %get3A_198] : memref<26x64x64xf32, #tpu.memory_space<vmem>>, vector<1x64x64xf32>
    %get3A_200 = vector.shape_cast %get3A_199 : vector<1x64x64xf32> to vector<64x64xf32>
    %dot_general3A_201 = arith.constant dense<0.000000e+00> : vector<1024x64xf32>
    %dot_general3A_202 = tpu.matmul %squeeze3A_195, %get3A_200, %dot_general3A_201 {dimension_numbers = #tpu.dot_dimension_numbers<[1], [0], [0], [1], [0, 0, 1, 1], [], []>, transpose_lhs_hint = false} : vector<1024x64xf32>, vector<64x64xf32>, vector<1024x64xf32> -> vector<1024x64xf32>
    %add3A_203 = arith.addf %add3A_193, %dot_general3A_202 : vector<1024x64xf32>
    %slice3A_204 = vector.extract_strided_slice %get3A_2 {offsets = [20, 0, 0], sizes = [1, 1024, 64], strides = [1, 1, 1]} : vector<26x1024x64xf32> to vector<1x1024x64xf32>
    %squeeze3A_205 = vector.shape_cast %slice3A_204 : vector<1x1024x64xf32> to vector<1024x64xf32>
    %get3A_206 = arith.constant 20 : index
    %get3A_207 = arith.constant 0 : index
    %get3A_208 = arith.constant 0 : index
    %get3A_209 = vector.load %arg2[%get3A_206, %get3A_207, %get3A_208] : memref<26x64x64xf32, #tpu.memory_space<vmem>>, vector<1x64x64xf32>
    %get3A_210 = vector.shape_cast %get3A_209 : vector<1x64x64xf32> to vector<64x64xf32>
    %dot_general3A_211 = arith.constant dense<0.000000e+00> : vector<1024x64xf32>
    %dot_general3A_212 = tpu.matmul %squeeze3A_205, %get3A_210, %dot_general3A_211 {dimension_numbers = #tpu.dot_dimension_numbers<[1], [0], [0], [1], [0, 0, 1, 1], [], []>, transpose_lhs_hint = false} : vector<1024x64xf32>, vector<64x64xf32>, vector<1024x64xf32> -> vector<1024x64xf32>
    %add3A_213 = arith.addf %add3A_203, %dot_general3A_212 : vector<1024x64xf32>
    %slice3A_214 = vector.extract_strided_slice %get3A_2 {offsets = [21, 0, 0], sizes = [1, 1024, 64], strides = [1, 1, 1]} : vector<26x1024x64xf32> to vector<1x1024x64xf32>
    %squeeze3A_215 = vector.shape_cast %slice3A_214 : vector<1x1024x64xf32> to vector<1024x64xf32>
    %get3A_216 = arith.constant 21 : index
    %get3A_217 = arith.constant 0 : index
    %get3A_218 = arith.constant 0 : index
    %get3A_219 = vector.load %arg2[%get3A_216, %get3A_217, %get3A_218] : memref<26x64x64xf32, #tpu.memory_space<vmem>>, vector<1x64x64xf32>
    %get3A_220 = vector.shape_cast %get3A_219 : vector<1x64x64xf32> to vector<64x64xf32>
    %dot_general3A_221 = arith.constant dense<0.000000e+00> : vector<1024x64xf32>
    %dot_general3A_222 = tpu.matmul %squeeze3A_215, %get3A_220, %dot_general3A_221 {dimension_numbers = #tpu.dot_dimension_numbers<[1], [0], [0], [1], [0, 0, 1, 1], [], []>, transpose_lhs_hint = false} : vector<1024x64xf32>, vector<64x64xf32>, vector<1024x64xf32> -> vector<1024x64xf32>
    %add3A_223 = arith.addf %add3A_213, %dot_general3A_222 : vector<1024x64xf32>
    %slice3A_224 = vector.extract_strided_slice %get3A_2 {offsets = [22, 0, 0], sizes = [1, 1024, 64], strides = [1, 1, 1]} : vector<26x1024x64xf32> to vector<1x1024x64xf32>
    %squeeze3A_225 = vector.shape_cast %slice3A_224 : vector<1x1024x64xf32> to vector<1024x64xf32>
    %get3A_226 = arith.constant 22 : index
    %get3A_227 = arith.constant 0 : index
    %get3A_228 = arith.constant 0 : index
    %get3A_229 = vector.load %arg2[%get3A_226, %get3A_227, %get3A_228] : memref<26x64x64xf32, #tpu.memory_space<vmem>>, vector<1x64x64xf32>
    %get3A_230 = vector.shape_cast %get3A_229 : vector<1x64x64xf32> to vector<64x64xf32>
    %dot_general3A_231 = arith.constant dense<0.000000e+00> : vector<1024x64xf32>
    %dot_general3A_232 = tpu.matmul %squeeze3A_225, %get3A_230, %dot_general3A_231 {dimension_numbers = #tpu.dot_dimension_numbers<[1], [0], [0], [1], [0, 0, 1, 1], [], []>, transpose_lhs_hint = false} : vector<1024x64xf32>, vector<64x64xf32>, vector<1024x64xf32> -> vector<1024x64xf32>
    %add3A_233 = arith.addf %add3A_223, %dot_general3A_232 : vector<1024x64xf32>
    %slice3A_234 = vector.extract_strided_slice %get3A_2 {offsets = [23, 0, 0], sizes = [1, 1024, 64], strides = [1, 1, 1]} : vector<26x1024x64xf32> to vector<1x1024x64xf32>
    %squeeze3A_235 = vector.shape_cast %slice3A_234 : vector<1x1024x64xf32> to vector<1024x64xf32>
    %get3A_236 = arith.constant 23 : index
    %get3A_237 = arith.constant 0 : index
    %get3A_238 = arith.constant 0 : index
    %get3A_239 = vector.load %arg2[%get3A_236, %get3A_237, %get3A_238] : memref<26x64x64xf32, #tpu.memory_space<vmem>>, vector<1x64x64xf32>
    %get3A_240 = vector.shape_cast %get3A_239 : vector<1x64x64xf32> to vector<64x64xf32>
    %dot_general3A_241 = arith.constant dense<0.000000e+00> : vector<1024x64xf32>
    %dot_general3A_242 = tpu.matmul %squeeze3A_235, %get3A_240, %dot_general3A_241 {dimension_numbers = #tpu.dot_dimension_numbers<[1], [0], [0], [1], [0, 0, 1, 1], [], []>, transpose_lhs_hint = false} : vector<1024x64xf32>, vector<64x64xf32>, vector<1024x64xf32> -> vector<1024x64xf32>
    %add3A_243 = arith.addf %add3A_233, %dot_general3A_242 : vector<1024x64xf32>
    %slice3A_244 = vector.extract_strided_slice %get3A_2 {offsets = [24, 0, 0], sizes = [1, 1024, 64], strides = [1, 1, 1]} : vector<26x1024x64xf32> to vector<1x1024x64xf32>
    %squeeze3A_245 = vector.shape_cast %slice3A_244 : vector<1x1024x64xf32> to vector<1024x64xf32>
    %get3A_246 = arith.constant 24 : index
    %get3A_247 = arith.constant 0 : index
    %get3A_248 = arith.constant 0 : index
    %get3A_249 = vector.load %arg2[%get3A_246, %get3A_247, %get3A_248] : memref<26x64x64xf32, #tpu.memory_space<vmem>>, vector<1x64x64xf32>
    %get3A_250 = vector.shape_cast %get3A_249 : vector<1x64x64xf32> to vector<64x64xf32>
    %dot_general3A_251 = arith.constant dense<0.000000e+00> : vector<1024x64xf32>
    %dot_general3A_252 = tpu.matmul %squeeze3A_245, %get3A_250, %dot_general3A_251 {dimension_numbers = #tpu.dot_dimension_numbers<[1], [0], [0], [1], [0, 0, 1, 1], [], []>, transpose_lhs_hint = false} : vector<1024x64xf32>, vector<64x64xf32>, vector<1024x64xf32> -> vector<1024x64xf32>
    %add3A_253 = arith.addf %add3A_243, %dot_general3A_252 : vector<1024x64xf32>
    %slice3A_254 = vector.extract_strided_slice %get3A_2 {offsets = [25, 0, 0], sizes = [1, 1024, 64], strides = [1, 1, 1]} : vector<26x1024x64xf32> to vector<1x1024x64xf32>
    %squeeze3A_255 = vector.shape_cast %slice3A_254 : vector<1x1024x64xf32> to vector<1024x64xf32>
    %get3A_256 = arith.constant 25 : index
    %get3A_257 = arith.constant 0 : index
    %get3A_258 = arith.constant 0 : index
    %get3A_259 = vector.load %arg2[%get3A_256, %get3A_257, %get3A_258] : memref<26x64x64xf32, #tpu.memory_space<vmem>>, vector<1x64x64xf32>
    %get3A_260 = vector.shape_cast %get3A_259 : vector<1x64x64xf32> to vector<64x64xf32>
    %dot_general3A_261 = arith.constant dense<0.000000e+00> : vector<1024x64xf32>
    %dot_general3A_262 = tpu.matmul %squeeze3A_255, %get3A_260, %dot_general3A_261 {dimension_numbers = #tpu.dot_dimension_numbers<[1], [0], [0], [1], [0, 0, 1, 1], [], []>, transpose_lhs_hint = false} : vector<1024x64xf32>, vector<64x64xf32>, vector<1024x64xf32> -> vector<1024x64xf32>
    %add3A_263 = arith.addf %add3A_253, %dot_general3A_262 : vector<1024x64xf32>
    %add3A_264 = arith.constant 9.99999997E-7 : f32
    %add3A_265 = vector.broadcast %add3A_264 : f32 to vector<1024xf32>
    %add3A_266 = arith.addf %mul3A_6, %add3A_265 : vector<1024xf32>
    %rsqrt3A = math.rsqrt %add3A_266 : vector<1024xf32>
    %broadcast_in_dim3A_267 = vector.shape_cast %rsqrt3A : vector<1024xf32> to vector<1024x1xf32>
    %mul3A_268 = vector.broadcast %broadcast_in_dim3A_267 : vector<1024x1xf32> to vector<1024x64xf32>
    %mul3A_269 = arith.mulf %add3A_263, %mul3A_268 : vector<1024x64xf32>
    %get3A_270 = arith.constant 0 : index
    %get3A_271 = arith.constant 0 : index
    %get3A_272 = vector.load %arg3[%get3A_270, %get3A_271] : memref<1x64xf32, #tpu.memory_space<vmem>>, vector<1x64xf32>
    %add3A_273 = vector.broadcast %get3A_272 : vector<1x64xf32> to vector<1024x64xf32>
    %add3A_274 = arith.addf %mul3A_269, %add3A_273 : vector<1024x64xf32>
    %get3A_275 = arith.constant 0 : index
    %get3A_276 = arith.constant 0 : index
    %get3A_277 = vector.load %arg4[%get3A_275, %get3A_276] : memref<64x256xf32, #tpu.memory_space<vmem>>, vector<64x256xf32>
    %dot_general3A_278 = arith.constant dense<0.000000e+00> : vector<1024x256xf32>
    %dot_general3A_279 = tpu.matmul %add3A_274, %get3A_277, %dot_general3A_278 {dimension_numbers = #tpu.dot_dimension_numbers<[1], [0], [0], [1], [0, 0, 1, 1], [], []>, transpose_lhs_hint = false} : vector<1024x64xf32>, vector<64x256xf32>, vector<1024x256xf32> -> vector<1024x256xf32>
    %get3A_280 = arith.constant 0 : index
    %get3A_281 = arith.constant 0 : index
    %get3A_282 = vector.load %arg5[%get3A_280, %get3A_281] : memref<1x256xf32, #tpu.memory_space<vmem>>, vector<1x256xf32>
    %add3A_283 = vector.broadcast %get3A_282 : vector<1x256xf32> to vector<1024x256xf32>
    %add3A_284 = arith.addf %dot_general3A_279, %add3A_283 : vector<1024x256xf32>
    %slice3A_285 = vector.extract_strided_slice %add3A_284 {offsets = [0, 0], sizes = [1024, 128], strides = [1, 1]} : vector<1024x256xf32> to vector<1024x128xf32>
    %slice3A_286 = vector.extract_strided_slice %add3A_284 {offsets = [0, 128], sizes = [1024, 128], strides = [1, 1]} : vector<1024x256xf32> to vector<1024x128xf32>
    %logistic3A = arith.negf %slice3A_285 : vector<1024x128xf32>
    %logistic3A_287 = math.exp %logistic3A : vector<1024x128xf32>
    %logistic3A_288 = arith.constant 1.000000e+00 : f32
    %logistic3A_289 = vector.broadcast %logistic3A_288 : f32 to vector<1024x128xf32>
    %logistic3A_290 = arith.addf %logistic3A_289, %logistic3A_287 : vector<1024x128xf32>
    %logistic3A_291 = arith.divf %logistic3A_289, %logistic3A_290 : vector<1024x128xf32>
    %mul3A_292 = arith.mulf %slice3A_285, %logistic3A_291 : vector<1024x128xf32>
    %mul3A_293 = arith.mulf %mul3A_292, %slice3A_286 : vector<1024x128xf32>
    %get3A_294 = arith.constant 0 : index
    %get3A_295 = arith.constant 0 : index
    %get3A_296 = vector.load %arg6[%get3A_294, %get3A_295] : memref<128x64xf32, #tpu.memory_space<vmem>>, vector<128x64xf32>
    %dot_general3A_297 = arith.constant dense<0.000000e+00> : vector<1024x64xf32>
    %dot_general3A_298 = tpu.matmul %mul3A_293, %get3A_296, %dot_general3A_297 {dimension_numbers = #tpu.dot_dimension_numbers<[1], [0], [0], [1], [0, 0, 1, 1], [], []>, transpose_lhs_hint = false} : vector<1024x128xf32>, vector<128x64xf32>, vector<1024x64xf32> -> vector<1024x64xf32>
    %get3A_299 = arith.constant 0 : index
    %get3A_300 = arith.constant 0 : index
    %get3A_301 = vector.load %arg7[%get3A_299, %get3A_300] : memref<1x64xf32, #tpu.memory_space<vmem>>, vector<1x64xf32>
    %add3A_302 = vector.broadcast %get3A_301 : vector<1x64xf32> to vector<1024x64xf32>
    %add3A_303 = arith.addf %dot_general3A_298, %add3A_302 : vector<1024x64xf32>
    %swap3A = arith.constant 0 : index
    %swap3A_304 = arith.constant 0 : index
    %swap3A_305 = vector.load %arg8[%swap3A, %swap3A_304] : memref<1024x64xf32, #tpu.memory_space<vmem>>, vector<1024x64xf32>
    tpu.vector_store %arg8[%swap3A, %swap3A_304], %add3A_303 {strides = array<i32>} : memref<1024x64xf32, #tpu.memory_space<vmem>>, vector<1024x64xf32>,
    return
  }
  func.func @transform_0(%arg0: i32) -> (i32, i32, i32) {
    %c0_i32 = arith.constant 0 : i32
    %c0_i32_0 = arith.constant 0 : i32
    %c0_i32_1 = arith.constant 0 : i32
    return %c0_i32, %arg0, %c0_i32_0 : i32, i32, i32
  }
  func.func @transform_1(%arg0: i32) -> (i32, i32, i32) {
    %c0_i32 = arith.constant 0 : i32
    %c0_i32_0 = arith.constant 0 : i32
    %c0_i32_1 = arith.constant 0 : i32
    %c0_i32_2 = arith.constant 0 : i32
    return %c0_i32, %c0_i32_0, %c0_i32_1 : i32, i32, i32
  }
  func.func @transform_2(%arg0: i32) -> (i32, i32) {
    %c0_i32 = arith.constant 0 : i32
    %c0_i32_0 = arith.constant 0 : i32
    %c0_i32_1 = arith.constant 0 : i32
    return %c0_i32, %c0_i32_0 : i32, i32
  }
  func.func @transform_3(%arg0: i32) -> (i32, i32) {
    %c0_i32 = arith.constant 0 : i32
    %c0_i32_0 = arith.constant 0 : i32
    %c0_i32_1 = arith.constant 0 : i32
    return %c0_i32, %c0_i32_0 : i32, i32
  }
  func.func @transform_4(%arg0: i32) -> (i32, i32) {
    %c0_i32 = arith.constant 0 : i32
    %c0_i32_0 = arith.constant 0 : i32
    %c0_i32_1 = arith.constant 0 : i32
    return %c0_i32, %c0_i32_0 : i32, i32
  }
  func.func @transform_5(%arg0: i32) -> (i32, i32) {
    %c0_i32 = arith.constant 0 : i32
    %c0_i32_0 = arith.constant 0 : i32
    %c0_i32_1 = arith.constant 0 : i32
    return %c0_i32, %c0_i32_0 : i32, i32
  }
  func.func @transform_6(%arg0: i32) -> (i32, i32) {
    %c0_i32 = arith.constant 0 : i32
    %c0_i32_0 = arith.constant 0 : i32
    %c0_i32_1 = arith.constant 0 : i32
    return %c0_i32, %c0_i32_0 : i32, i32
  }
  func.func @transform_7(%arg0: i32) -> (i32, i32) {
    %c0_i32 = arith.constant 0 : i32
    %c0_i32_0 = arith.constant 0 : i32
    return %arg0, %c0_i32 : i32, i32
  }
}

</mosaic_0001>

<sc_bundles>
// kernel: kernel.4.cloned.1.call-start
scs
__scs_entry_jumppad:
0x0: {  	(pc) =	sbr.rel $0x88, $3  }
0x1: {  	(tag) =	ssettag $0x0;
	lr =	simm.s32 $0x1  }
0x2: {  	[smem:$0x3F96] =	sst lr;
	_ =	strace $0xD0000000  }
0x3: {  	_ = 	snop  }
0x4: {  	_ = 	snop  }
0x5: {  	_ = 	snop  }
0x6: {  	_ = 	snop  }
0x7: {  	_ = 	snop  }
__scs_overlays_trampoline_lowered:
0x8: {  	[smem:$0x3FA5] =	sst s0  }
0x9: {  	[smem:$0x3FA6] =	sst s1  }
0xa: {  	[smem:$0x3FA7] =	sst s2  }
0xb: {  	[smem:$0x3FA8] =	sst s3  }
0xc: {  	[smem:$0x3FA9] =	sst s4  }
0xd: {  	[smem:$0x3FAA] =	sst s5  }
0xe: {  	[smem:$0x3FAB] =	sst s6  }
0xf: {  	[smem:$0x3FAC] =	sst s7  }
0x10: {  	[smem:$0x3FAD] =	sst s8  }
0x11: {  	[smem:$0x3FAE] =	sst s9;
	s0 =	simm.s32 @!p0 $0x0  }
0x12: {  	s1 =	sld [smem:$0x3F94];
	s0 =	simm.s32 @p0 $0x1  }
0x13: {  	[smem:$0x3FAF] =	sst s0;
	s0 =	simm.s32 @!p1 $0x0  }
0x14: {  	s2 =	sld [smem:$0x3F93];
	s0 =	simm.s32 @p1 $0x1  }
0x15: {  	[smem:$0x3FB0] =	sst s0;
	s0 =	simm.s32 @!p2 $0x0  }
0x16: {  	s3 =	sld [smem:$0x3FDB];
	s0 =	simm.s32 @p2 $0x1  }
0x17: {  	s4 =	simm.s32 $0x1BF5;
	[smem:$0x3FB2] =	sst s0  }
0x18: {  	s0 =	sld [smem:$0x3F95];
	_ =	swait.ge [sflag:s4], $0x0  }
0x19: {  	s7 =	sld [smem:$0x3F96]  }
0x1a: {  	s8 =	sadd.s32 $0xFFFFE003, lr  }
0x1b: {  	s9 =	sadd.s32 $0xFFFFFEF7, lr;
	s5 =	simm.s32 $0xFFFFFFFF;
	p2 =	slt.u32 s8, $0xFFFFF086  }
0x1c: {  	p1 =	slt.u32 s9, $0xF7A;
	s5 =	simm.s32 @!p2 $0x0  }
0x1d: {  	s5 =	simm.s32 @p1 $0x1;
	p0 =	seq.s32 s7, s2  }
0x1e: {  	s7 =	smul.u32 @!p0 $0xF7A, s2;
	p2 =	seq.s32 @!p0 s5, $0x0  }
0x1f: {  	s9 =	smul.u32 $0xF7A, s1;
	s8 =	simm.s32 @!p0 $0x1BF5;
	p2 =	por !p2, p0  }
0x20: {  	[sflag:s8] =	ssyncset.s32 @!p0 $0xFFFFF086;
	s6 =	sadd.s32 @!p0 s3, s7;
	s7 =	simm.s32 @!p0 $0x108  }
0x21: {  	s3 =	sadd.s32 s3, s9;
	s6 =	sadd.s32 @!p0 $0x88, s6;
	s7 =	simm.s32 @p2 $0x1082  }
0x22: {  	[simem:s7], [sflag:s8] =	dma.local @!p0 [hbm:s6], $0xF7A  }
0x23: {  	s9 =	sor.u32 $0xD0000000, s2;
	s6 =	simm.s32 $0x108;
	_ =	swait.ge @!p0 [sflag:s8], $0x0  }
0x24: {  	s3 =	sadd.s32 $0x88, s3;
	s6 =	simm.s32 @!p1 $0x1082;
	[sflag:s4] =	ssyncset.s32 $0xFFFFF086  }
0x25: {  	[simem:s6], [sflag:s4] =	dma.local [hbm:s3], $0xF7A  }
0x26: {  	[smem:$0x3F96] =	sst s1;
	(tag) =	ssettag s2;
	_ =	strace s9  }
0x27: {  	s1 =	sld [smem:$0x3FA6]  }
0x28: {  	s2 =	sld [smem:$0x3FA7]  }
0x29: {  	s4 =	sld [smem:$0x3FA9]  }
0x2a: {  	p0 =	seq.s32 s5, $0x0;
	s5 =	sld [smem:$0x3FAA]  }
0x2b: {  	s6 =	sld [smem:$0x3FAB]  }
0x2c: {  	s7 =	sld [smem:$0x3FAC]  }
0x2d: {  	s3 =	simm.s32 $0x108;
	s8 =	sld [smem:$0x3FAD]  }
0x2e: {  	s3 =	simm.s32 @!p0 $0x1082;
	s9 =	sld [smem:$0x3FAE]  }
0x2f: {  	lr =	sadd.s32 s0, s3;
	s0 =	sld [smem:$0x3FA5]  }
0x30: {  	s3 =	sld [smem:$0x3FA8]  }
0x31: {  	[smem:$0x3FB1] =	sst s10  }
0x32: {  	s10 =	sld [smem:$0x3FAF];
	_ =	sdelay $0x3  }
0x33: {  	p0 =	seq.s32 s10, $0x1;
	s10 =	sld [smem:$0x3FB1];
	_ =	sdelay $0x3  }
0x34: {  	[smem:$0x3FB1] =	sst s10  }
0x35: {  	s10 =	sld [smem:$0x3FB0];
	_ =	sdelay $0x3  }
0x36: {  	p1 =	seq.s32 s10, $0x1;
	s10 =	sld [smem:$0x3FB1];
	_ =	sdelay $0x3  }
0x37: {  	[smem:$0x3FB1] =	sst s10  }
0x38: {  	s10 =	sld [smem:$0x3FB2]  }
0x39: {  	_ = 	snop;
	(pc) =	sbr.ind lr, $3  }
0x3a: {  	_ = 	snop  }
0x3b: {  	_ = 	snop  }
0x3c: {  	p2 =	seq.s32 s10, $0x1;
	s10 =	sld [smem:$0x3FB1]  }
0x3d: {  	_ =	shalt  }
0x3e: {  	_ =	shalt  }
0x3f: {  	_ =	shalt  }
0x40: {  	_ =	shalt  }
0x41: {  	_ =	shalt  }
0x42: {  	_ =	shalt  }
0x43: {  	_ =	shalt  }
0x44: {  	_ =	shalt  }
0x45: {  	_ =	shalt  }
0x46: {  	_ =	shalt  }
0x47: {  	_ =	shalt  }
0x48: {  	_ =	shalt  }
0x49: {  	_ =	shalt  }
0x4a: {  	_ =	shalt  }
0x4b: {  	_ =	shalt  }
0x4c: {  	_ =	shalt  }
0x4d: {  	_ =	shalt  }
0x4e: {  	_ =	shalt  }
0x4f: {  	_ =	shalt  }
0x50: {  	_ =	shalt  }
0x51: {  	_ =	shalt  }
0x52: {  	_ =	shalt  }
0x53: {  	_ =	shalt  }
0x54: {  	_ =	shalt  }
0x55: {  	_ =	shalt  }
0x56: {  	_ =	shalt  }
0x57: {  	_ =	shalt  }
0x58: {  	_ =	shalt  }
0x59: {  	_ =	shalt  }
0x5a: {  	_ =	shalt  }
0x5b: {  	_ =	shalt  }
0x5c: {  	_ =	shalt  }
0x5d: {  	_ =	shalt  }
0x5e: {  	_ =	shalt  }
0x5f: {  	_ =	shalt  }
0x60: {  	_ =	shalt  }
0x61: {  	_ =	shalt  }
0x62: {  	_ =	shalt  }
0x63: {  	_ =	shalt  }
0x64: {  	_ =	shalt  }
0x65: {  	_ =	shalt  }
0x66: {  	_ =	shalt  }
0x67: {  	_ =	shalt  }
0x68: {  	_ =	shalt  }
0x69: {  	_ =	shalt  }
0x6a: {  	_ =	shalt  }
0x6b: {  	_ =	shalt  }
0x6c: {  	_ =	shalt  }
0x6d: {  	_ =	shalt  }
0x6e: {  	_ =	shalt  }
0x6f: {  	_ =	shalt  }
0x70: {  	_ =	shalt  }
0x71: {  	_ =	shalt  }
0x72: {  	_ =	shalt  }
0x73: {  	_ =	shalt  }
0x74: {  	_ =	shalt  }
0x75: {  	_ =	shalt  }
0x76: {  	_ =	shalt  }
0x77: {  	_ =	shalt  }
0x78: {  	_ =	shalt  }
0x79: {  	_ =	shalt  }
0x7a: {  	_ =	shalt  }
0x7b: {  	_ =	shalt  }
0x7c: {  	_ =	shalt  }
0x7d: {  	_ =	shalt  }
0x7e: {  	_ =	shalt  }
0x7f: {  	_ =	shalt  }
0x80: {  	_ =	shalt  }
0x81: {  	_ =	shalt  }
0x82: {  	_ =	shalt  }
0x83: {  	_ =	shalt  }
0x84: {  	_ =	shalt  }
0x85: {  	_ =	shalt  }
0x86: {  	_ =	shalt  }
0x87: {  	_ =	shalt  }
.Lfunc_end0:
.L_simem_size_0:
called_computation_lowered:
.L_overlay_start_0:
0x88: {  	s2 =	sld [smem:$0x3FD9]  }
0x89: {  	s3 =	sld [smem:$0x3FFE];
	_ =	sdelay $0x1  }
0x8a: {  	s1 =	srdreg.scid  }
0x8b: {  	s0 =	sand.u32 $0x1, s1  }
0x8c: {  	s17 =	sshll.u32 s0, $0xA;
	s2 =	sadd.s32 s3, s2  }
0x8d: {  	s2 =	sadd.s32 s2, s17  }
0x8e: {  	[smem:$0x3FBD] =	sst s2  }
0x8f: {  	_ = 	snop  }
0x90: {  	s2 =	sld [smem:$0x3FD0];
	(tm) =	ssettm $0x1  }
0x91: {  	s18 =	sld [smem:$0x3FFB];
	_ =	sdelay $0x3  }
0x92: {  	_ =	strace s18  }
0x93: {  	s3 =	sld [smem:$0x3FFC];
	_ =	sdelay $0x3  }
0x94: {  	_ =	strace s3  }
0x95: {  	s3 =	sld [smem:$0x3FFD];
	_ =	sdelay $0x3  }
0x96: {  	_ =	strace s3  }
0x97: {  	_ =	strace $0x8FFFFFFF  }
0x98: {  	s19 =	sld [smem:$0x3FDB];
	_ =	sdelay $0x1  }
0x99: {  	s4 =	simm.s32 $_scs_section_size  }
0x9a: {  	s5 =	simm.s32 $_size__tile_overlayer_lowered;
	s6 =	simm.s32 $_tile_overlayer_lowered  }
0x9b: {  	s22 =	simm.s32 $0x1BFF;
	s21 =	sshll.u32 s6, $0x1;
	s3 =	sadd.s32 s4, s19  }
0x9c: {  	s7 =	simm.s32 $0x0;
	s20 =	sshll.u32 s5, $0x1;
	s5 =	sadd.s32 s21, s3  }
0x9d: {  	[timem:s7], [sflag:s22] =	dma.local [hbm:s5], s20  }
0x9e: {  	_ =	swait.ge [sflag:s22], s20  }
0x9f: {  	s4 =	ssub.s32 $0x0, s20;
	[sflag:s22] =	ssyncset.done $0x0  }
0xa0: {  	[sflag:s22] =	ssyncadd.s32 s4;
	_ =	sdelay $0x1  }
0xa1: {  	s23 =	simm.s32 $0x1B8B  }
0xa2: {  	_ =	swait.ge [sflag:s23], $0x1  }
0xa3: {  	[sflag:s23] =	ssyncset.done $0x0  }
0xa4: {  	s25 =	simm.s32 $0x1B8E;
	s24 =	sld [smem:$0x3FFE];
	[sflag:s23] =	ssyncadd.s32 $0xFFFFFFFF  }
0xa5: {  	s26 =	simm.s32 $execute0_lowered;
	[smem:$0x3FD2] =	sst s25  }
0xa6: {  	s5 =	sshll.u32 s26, $0x1;
	_ =	strace $0x80000046;
	[dreg:$0x1] =	wrdreg $0xFFFFFFFF  }
0xa7: {  	s28 =	simm.s32 $_size_execute0_lowered;
	s3 =	sadd.s32 s3, s5;
	[dreg:$0x0] =	wrdreg $0x0  }
0xa8: {  	s5 =	sshll.u32 s28, $0x1;
	[dreg:$0x2] =	wrdreg s3  }
0xa9: {  	[dreg:$0x3] =	wrdreg s5  }
0xaa: {  	[dreg:$0x4] =	wrdreg $0xC0  }
0xab: {  	_ =	task [dreg:s7], $0x5FFFF  }
0xac: {  	[dreg:$0x1] =	wrdreg $0xFFFFFFFF  }
0xad: {  	[dreg:$0x0] =	wrdreg $0x60  }
0xae: {  	[dreg:$0x2] =	wrdreg s24  }
0xaf: {  	[dreg:$0x3] =	wrdreg s2  }
0xb0: {  	[dreg:$0x4] =	wrdreg $0x9  }
0xb1: {  	_ =	task.clear_ibuf [dreg:s7], $0x5FFFF;
	_ =	strace $0x90000046  }
0xb2: {  	s29 =	simm.s32 $0x9;
	_ =	strace $0x80000048  }
0xb3: {  	_ =	swait.ge [sflag:s29], $0x1  }
0xb4: {  	[sflag:s29] =	ssyncadd.s32 $0xFFFFFFFF  }
0xb5: {  	_ =	strace $0x90000048  }
0xb6: {  	_ =	sfence  }
0xb7: {  	s30 =	sld [smem:$0x0];
	_ =	sdelay $0x2  }
0xb8: {  	s31 =	sshll.u32 s1, $0xD;
	s1 =	sshrl.u32 s1, $0x2  }
0xb9: {  	s3 =	sand.u32 $0x4000, s31;
	s1 =	sadd.s32 s1, s30  }
0xba: {  	s0 =	sor.u32 s3, s0;
	s1 =	sshll.u32 s1, $0x11  }
0xbb: {  	s0 =	sor.u32 s1, s0  }
0xbc: {  	s0 =	sadd.s32 $0x8F2B, s0  }
0xbd: {  	[sflag:s0] =	ssyncadd.remote.s32 $0x1  }
0xbe: {  	_ =	sfence.sel $0xFFFF  }
0xbf: {  	[dreg:$0x0] =	wrdreg $0xFFFFFFFF;
	(pc) =	sbr.abs _section_cstart, $3  }
0xc0: {  	[dreg:$0x1] =	wrdreg $0xFFFFFFFF  }
0xc1: {  	_ =	task.clear_ibuf [dreg:s7], $0x2FFFF;
	_ =	strace $0x9FFFFFFF  }
0xc2: {  	(tm) =	ssettm $0x7FFFFFFF  }
0xc3: {  	_ =	shalt  }
tec
execute0_lowered:
.L_overlay_start_1:
0x0: {  	(tag) =	ssettag $0x1  }
0x1: {  	s4 =	rddreg [dreg:$0x0]  }
0x2: {  	s5 =	rddreg [dreg:$0x1]  }
0x3: {  	s1 =	stileid.u32;
	s2 =	srdreg.scid  }
0x4: {  	s0 =	rddreg [dreg:$0x2];
	s11 =	simm.s32 $0x0;
	s3 =	sand.u32 $0x1, s2  }
0x5: {  	s6 =	sshll.u32 s1, $0x1;
	s2 =	simm.s32 $0x0;
	s7 =	smul.u32 $0x34000, s1  }
0x6: {  	s6 =	sor.u32 s3, s6;
	[smem:$0x7FF] =	sst s2;
	s10 =	smul.u32 $0x1A000, s3  }
0x7: {  	s8 =	ssub.s32 $0x2, s3;
	s3 =	sadd.s32 $0x27ADE00, s4;
	s6 =	smul.u32 $0x680, s6  }
0x8: {  	_ =	strace $0x80000047;
	s9 =	sshrl.u32 s8, $0x1;
	s7 =	sadd.s32 s7, s4  }
0x9: {  	s8 =	ssub.s32 s8, s9;
	s31 =	sadd.s32 s10, s7;
	s7 =	simm.s32 $0x2  }
0xa: {  	s9 =	simm.s32 $0x3400;
	s10 =	simm.s32 $0x1;
	s4 =	sadd.s32 s5, s6  }
0xb: {  	s5 =	smax.u32 s8, $0x1;
	s6 =	sadd.s32 $0x1A00, s31;
	s8 =	simm.s32 $0x80  }
.LBB2_1:
0xc: {  	[tilespmem:s2], [sflag:$0x2] =	stream.linear.gather [hbm4b:s4+s2], $0x3400, $0x38;
	[tilespmem:$0x5400] =	vst v63  }
0xd: {  	_ =	swait.ge [sflag:s7], $0x3400  }
0xe: {  	[sflag:s7] =	ssyncset.done $0x0  }
0xf: {  	s12 =	simm.s32 $0x0;
	[sflag:s7] =	ssyncadd.s32 $0xFFFFCC00  }
0x10: {  	[tilespmem:s9], [sflag:$0x1] =	stream.indirect.gather [hbm4b:s3+s8], $0x40, s12, s8, $0xb8;
	[tilespmem:$0x5400] =	vst v63  }
0x11: {  	_ =	swait.ge [sflag:s10], $0x2000  }
0x12: {  	[sflag:s10] =	ssyncset.done $0x0  }
0x13: {  	[sflag:s10] =	ssyncadd.s32 $0xFFFFE000  }
0x14: {  	[hbm4b:s6+s2] =	stream.linear.scatter [tilespmem:s9], [sflag:$0x2], $0x2000, $0x38;
	[tilespmem:$0x5400] =	vst v63  }
0x15: {  	s13 =	simm.s32 $0x200;
	_ =	swait.ge [sflag:s7], $0x2000  }
0x16: {  	s14 =	simm.s32 $0x400;
	s12 =	sadd.s32 $0x400, s6;
	[sflag:s7] =	ssyncset.done $0x0  }
.LBB2_2:
0x17: {  	s15 =	sshra.s32 s13, $0x2  }
0x18: {  	[sflag:s7] =	ssyncadd.s32 $0xFFFFE000;
	s13 =	smov.u32 s14;
	s16 =	sadd.s32 $0x200, s14  }
0x19: {  	[tilespmem:s9], [sflag:$0x1] =	stream.indirect.gather [hbm4b:s3+s8], $0x40, s15, s8, $0xb8;
	[tilespmem:$0x5400] =	vst v63  }
0x1a: {  	p0 =	sne.s32 s14, $0xCE00;
	_ =	swait.ge [sflag:s10], $0x2000  }
.Ltmp0:
0x1b: {  	[sflag:s10] =	ssyncset.done $0x0;
	(pc) =	sbr.rel @p0 .LBB2_2-.Ltmp0, $4  }
0x1c: {  	[sflag:s10] =	ssyncadd.s32 $0xFFFFE000  }
0x1d: {  	[hbm4b:s12+s2] =	stream.linear.scatter [tilespmem:s9], [sflag:$0x2], $0x2000, $0x38;
	[tilespmem:$0x5400] =	vst v63  }
0x1e: {  	_ =	swait.ge [sflag:s7], $0x2000  }
0x1f: {  	s14 =	smov.u32 s16;
	s12 =	sadd.s32 $0x400, s12;
	[sflag:s7] =	ssyncset.done $0x0  }
0x20: {  	s13 =	sshra.s32 s13, $0x2;
	[sflag:s7] =	ssyncadd.s32 $0xFFFFE000  }
0x21: {  	[tilespmem:s9], [sflag:$0x1] =	stream.indirect.gather [hbm4b:s3+s8], $0x40, s13, s8, $0xb8;
	[tilespmem:$0x5400] =	vst v63  }
0x22: {  	s11 =	sadd.s32 $0x1, s11;
	_ =	swait.ge [sflag:s10], $0x2000  }
0x23: {  	p0 =	sne.s32 s11, s5;
	[sflag:s10] =	ssyncset.done $0x0  }
.Ltmp1:
0x24: {  	[sflag:s10] =	ssyncadd.s32 $0xFFFFE000;
	(pc) =	sbr.rel @p0 .LBB2_1-.Ltmp1, $4  }
0x25: {  	[hbm4b:s12+s2] =	stream.linear.scatter [tilespmem:s9], [sflag:$0x2], $0x2000, $0x38;
	[tilespmem:$0x5400] =	vst v63  }
0x26: {  	_ =	swait.ge [sflag:s7], $0x2000  }
0x27: {  	[sflag:s7] =	ssyncset.done $0x0  }
0x28: {  	[sflag:s7] =	ssyncadd.s32 $0xFFFFE000  }
0x29: {  	_ =	sfence.sel $0x180000  }
0x2a: {  	[bflag:$0x0] =	sbarrier.arrive $0xFFFF  }
0x2b: {  	p0 =	sne.s32 s1, $0x0;
	_ =	strace $0x90000047  }
0x2c: {  	s0 =	sadd.s32 @!p0 $0x100000, s0;
	[bflag:$0x2] =	sbarrier.arrive $0xFFFF  }
0x2d: {  	[sflag:s0] =	ssyncadd.tile.s32 @!p0 $0x1;
	_ =	shalt  }
.Lfunc_end2:
_tile_overlayer_lowered:
.L_overlay_start_2:
0x2e: {  	(tag) =	ssettag $0x2  }
0x2f: {  	s0 =	rddreg [dreg:$0x0];
	s2 =	stileid.u32  }
0x30: {  	s1 =	rddreg [dreg:$0x1];
	p0 =	sne.s32 s2, $0x0  }
0x31: {  	s3 =	rddreg [dreg:$0x2];
	[bflag:$0x3] =	sbarrier.arrive $0xFFFF;
	s2 =	simm.s32 @!p0 $0x1C02  }
0x32: {  	[timem:s3], [sflag:s2] =	dma.local @!p0 [hbm:s0], s1  }
0x33: {  	s0 =	simm.s32 @!p0 $0x2  }
0x34: {  	_ =	swait.ge @!p0 [sflag:s0], s1  }
0x35: {  	s1 =	ssub.s32 @!p0 $0x0, s1;
	[sflag:s0] =	ssyncset.done @!p0 $0x0  }
0x36: {  	[sflag:s0] =	ssyncadd.s32 @!p0 s1  }
0x37: {  	[bflag:$0x3] =	sbarrier.arrive $0xFFFF  }
0x38: {  	_ =	shalt  }

</sc_bundles>
